<compile_context>
chip_gen: v7x
topology: tpu7x:2x2x1
jax: 0.10.2.dev20260603
libtpu: 0.0.44.dev20260713+nightly
codegen_flags: <defaults>
</compile_context>

<pallas_src>
import dataclasses
import functools

import jax
import jax.numpy as jnp
from jax import lax
from jax.experimental import pallas as pl
from jax.experimental.pallas import tpu as pltpu
from jax.experimental.pallas import tpu_sc as plsc

N = 2 * 4096 * 4096
K = int(0.9999 * N)
NBINS = 1 << 16
SHIFT = 15

NC, NS = 2, 16
NW = NC * NS

CHUNK = 16384
NBLK = N // CHUNK


def _sc_hist(x2d):
    mesh = plsc.VectorSubcoreMesh(
        core_axis_name="c", subcore_axis_name="s", num_cores=NC, num_subcores=NS
    )

    cp = pltpu.CompilerParams()
    if "needs_layout_passes" in pltpu.CompilerParams.__dataclass_fields__:
        cp = dataclasses.replace(cp, needs_layout_passes=False)

    @functools.partial(
        pl.kernel,
        out_type=jax.ShapeDtypeStruct((NW, NBINS), jnp.int32),
        mesh=mesh,
        scratch_types=[pltpu.VMEM((NBINS,), jnp.int32)],
        compiler_params=cp,
    )
    def hist_kernel(x_hbm, out_hbm, hist):
        zeros16 = jnp.zeros((16,), jnp.int32)

        @pl.loop(0, NBINS, step=16)
        def _zero(i):
            hist[pl.ds(i, 16)] = zeros16

        ones16 = jnp.ones((16,), jnp.int32)

        def body(x_vmem):
            @pl.loop(0, CHUNK, step=16)
            def _(j):
                v = x_vmem[0, pl.ds(j, 16)]
                bits = plsc.bitcast(v, jnp.int32)
                bins = (bits & jnp.int32(0x7FFFFFFF)) >> SHIFT
                plsc.addupdate_scatter(hist, [bins], ones16)

        pltpu.emit_pipeline(
            body,
            grid=(NBLK,),
            in_specs=[pl.BlockSpec((1, CHUNK), lambda i: (i, 0))],
            core_axis_name=("c", "s"),
            dimension_semantics=(pltpu.PARALLEL,),
        )(x_hbm)

        wid = lax.axis_index("s") * NC + lax.axis_index("c")
        pltpu.sync_copy(hist, out_hbm.at[wid])

    return hist_kernel(x2d)


def _tc_select(hists):

    def body(h_ref, o_ref):
        h = h_ref[...].reshape(NW, NBINS // 128, 128)
        m = jnp.sum(h, axis=0)
        r_iota = lax.broadcasted_iota(jnp.int32, m.shape, 0)
        c_iota = lax.broadcasted_iota(jnp.int32, m.shape, 1)
        bin_idx = r_iota * 128 + c_iota

        def bs_body(_, carry):
            lo, hi = carry
            mid = (lo + hi) // 2
            s = jnp.sum(jnp.where(bin_idx <= mid, m, 0))
            ge = s >= K
            return jnp.where(ge, lo, mid + 1), jnp.where(ge, mid, hi)

        lo, _ = lax.fori_loop(
            0, 17, bs_body, (jnp.int32(0), jnp.int32(NBINS - 1))
        )
        lower_bits = lo << SHIFT
        upper_bits = jnp.minimum((lo + 1) << SHIFT, jnp.int32(0x7F7FFFFF))
        lower = lax.bitcast_convert_type(lower_bits, jnp.float32)
        upper = lax.bitcast_convert_type(upper_bits, jnp.float32)
        o_ref[...] = jnp.full((1, 1), 0.5 * (lower + upper), jnp.float32)

    return pl.pallas_call(
        body,
        out_shape=jax.ShapeDtypeStruct((1, 1), jnp.float32),
    )(hists)


def kernel(input):
    x2d = input.reshape(NBLK, CHUNK)
    hists = _sc_hist(x2d)
    out = _tc_select(hists)
    return out.reshape(1)

# --- scband reference (transcript-rebuilt; emitter-appended) ---
"""Pipeline reference for scband-fake-histogram-observer-78323023610527 (READ-ONLY COPY).

The authoritative reference and input builder live on the scoring server;
editing this copy changes nothing except your own understanding.
"""

import jax, jax.numpy as jnp
import numpy as np

HIST_PERCENTILE = 0.9999
MOMENTUM = 0.1

def setup_inputs(seed: int = 0) -> dict:
    key = jax.random.key(seed)
    inp = jax.random.normal(key, (2, 4096, 4096), dtype=jnp.float32)
    return {"input": inp}

def reference(input):
    # torch.kthvalue(input.abs().view(-1), k)[0] with k = int(hist_percentile * N)
    # torch.kthvalue is 1-indexed kth SMALLEST -> sorted[k-1]
    flat = jnp.abs(input).reshape(-1)
    n = flat.shape[0]
    k = int(HIST_PERCENTILE * n)
    max_val_cur = jnp.sort(flat)[k - 1]
    # first forward call: num_flag == 0 -> max_val = max_val_cur
    # (subsequent calls would be (1-momentum)*max_val + momentum*max_val_cur)
    max_val = max_val_cur
    return jnp.reshape(max_val, (1,))

if __name__ == "__main__":
    import jax
    _d = setup_inputs()
    print(jax.jit(kernel)(*tuple(_d.values())))

</pallas_src>

<mosaic_0001>
#map = affine_map<(d0, d1) -> (0, 0)>
module attributes {stable_mosaic.version = 14 : i64} {
  func.func @hist_kernel(%arg0: i32, %arg1: i32, %arg2: memref<2048x16384xf32, #tpu.memory_space<hbm>>, %arg3: memref<32x65536xi32, #tpu.memory_space<hbm>>, %arg4: memref<65536xi32, #tpu.memory_space<vmem>>) attributes {dimension_semantics = [#tpu.dimension_semantics<core_parallel>, #tpu.dimension_semantics<subcore_parallel>], iteration_bounds = array<i64: 2, 16>, scalar_prefetch = 0 : i64, scratch_operands = 1 : i64, tpu.core_type = #tpu.core_type<sc_vector_subcore>, window_params = [{transform_indices = #map}, {transform_indices = #map}]} {
    %broadcast_in_dim3A = arith.constant 0 : i32
    %broadcast_in_dim3A_0 = vector.broadcast %broadcast_in_dim3A : i32 to vector<16xi32>
    %scan3A = arith.constant 0 : i32
    %scan3A_1 = arith.constant 4096 : i32
    %scan3A_2 = arith.addi %scan3A, %scan3A_1 : i32
    %scan3A_3 = arith.constant 1 : i32
    scf.for %scan3A_17 = %scan3A to %scan3A_2 step %scan3A_3  : i32 {
      %mul3A_18 = arith.constant 16 : i32
      %mul3A_19 = arith.muli %scan3A_17, %mul3A_18 : i32
      %add3A_20 = arith.constant 0 : i32
      %add3A_21 = arith.addi %add3A_20, %mul3A_19 : i32
      %swap3A = arith.index_cast %add3A_21 : i32 to index
      %swap3A_22 = tpu.vector_load %arg4[%swap3A] {strides = array<i32>} : memref<65536xi32, #tpu.memory_space<vmem>>, vector<16xi32>,
      tpu.vector_store %arg4[%swap3A], %broadcast_in_dim3A_0 {strides = array<i32>} : memref<65536xi32, #tpu.memory_space<vmem>>, vector<16xi32>,
    }
    %scan3A_4 = arith.constant 4096 : i32
    %broadcast_in_dim3A_5 = arith.constant 1 : i32
    %broadcast_in_dim3A_6 = vector.broadcast %broadcast_in_dim3A_5 : i32 to vector<16xi32>
    %mul3A = arith.constant 1 : i32
    %mul3A_7 = arith.muli %arg1, %mul3A : i32
    %add3A = arith.constant 0 : i32
    %add3A_8 = arith.addi %add3A, %mul3A_7 : i32
    %mul3A_9 = arith.constant 16 : i32
    %mul3A_10 = arith.muli %arg0, %mul3A_9 : i32
    %add3A_11 = arith.addi %add3A_8, %mul3A_10 : i32
    %mul3A_12 = arith.constant 64 : i32
    %mul3A_13 = arith.muli %add3A_11, %mul3A_12 : i32
    "tpu.region"() ({
      %run_scoped3A = memref.alloca() : memref<2x1x16384xf32, #tpu.memory_space<vmem>>
      %run_scoped3A_17 = tpu.sem_alloc : memref<2x!tpu.dma_semaphore, #tpu.memory_space<semaphore_mem>>
      %add3A_18 = arith.constant 0 : i32
      %add3A_19 = arith.addi %add3A_18, %mul3A_13 : i32
      %select_n3A = arith.constant true
      %select_n3A_20 = arith.constant 0 : i32
      %select_n3A_21 = arith.constant -1 : i32
      %select_n3A_22 = arith.select %select_n3A, %select_n3A_21, %select_n3A_20 : i32
      %eq3A = arith.constant -1 : i32
      %eq3A_23 = arith.cmpi eq, %select_n3A_22, %eq3A : i32
      %select_n3A_24 = arith.constant 63 : i32
      %select_n3A_25 = arith.select %eq3A_23, %select_n3A_24, %select_n3A_22 : i32
      %add3A_26 = arith.addi %select_n3A_25, %mul3A_13 : i32
      %select_n3A_27 = arith.constant true
      %select_n3A_28 = arith.constant 0 : i32
      %select_n3A_29 = arith.constant 1 : i32
      %select_n3A_30 = arith.select %select_n3A_27, %select_n3A_29, %select_n3A_28 : i32
      %eq3A_31 = arith.constant 64 : i32
      %eq3A_32 = arith.cmpi eq, %select_n3A_30, %eq3A_31 : i32
      %select_n3A_33 = arith.constant 0 : i32
      %select_n3A_34 = arith.select %eq3A_32, %select_n3A_33, %select_n3A_30 : i32
      %add3A_35 = arith.addi %select_n3A_34, %mul3A_13 : i32
      %add3A_36 = arith.constant 1 : i32
      %add3A_37 = arith.addi %select_n3A_34, %add3A_36 : i32
      %select_n3A_38 = arith.constant true
      %select_n3A_39 = arith.select %select_n3A_38, %add3A_37, %select_n3A_34 : i32
      %eq3A_40 = arith.constant 64 : i32
      %eq3A_41 = arith.cmpi eq, %select_n3A_39, %eq3A_40 : i32
      %select_n3A_42 = arith.constant 0 : i32
      %select_n3A_43 = arith.select %eq3A_41, %select_n3A_42, %select_n3A_39 : i32
      %add3A_44 = arith.addi %select_n3A_43, %mul3A_13 : i32
      "tpu.trace_start"() <{level = 10 : i32, message = "ep_initialize_0"}> : () -> ()
      %rem3A = arith.constant 0 : i32
      %rem3A_45 = arith.constant 2 : i32
      %rem3A_46 = arith.remui %rem3A, %rem3A_45 : i32
      %mul3A_47 = arith.constant 1 : i32
      %mul3A_48 = arith.muli %mul3A_47, %add3A_19 : i32
      %dma_start3A = arith.constant 0 : i32
      %dma_start3A_49 = arith.constant 0 : i32
      %dma_start3A_50 = tpu.memref_slice %run_scoped3A[%rem3A_46, %dma_start3A, %dma_start3A_49] : memref<2x1x16384xf32, #tpu.memory_space<vmem>> -> memref<1x1x16384xf32, #tpu.memory_space<vmem>>
      %dma_start3A_51 = tpu.memref_squeeze %dma_start3A_50 : memref<1x1x16384xf32, #tpu.memory_space<vmem>> -> memref<1x16384xf32, #tpu.memory_space<vmem>>
      %dma_start3A_52 = arith.constant 0 : i32
      %dma_start3A_53 = tpu.memref_slice %arg2[%mul3A_48, %dma_start3A_52] : memref<2048x16384xf32, #tpu.memory_space<hbm>> -> memref<1x16384xf32, #tpu.memory_space<hbm>>
      %dma_start3A_54 = tpu.memref_slice %run_scoped3A_17[%rem3A_46] : memref<2x!tpu.dma_semaphore, #tpu.memory_space<semaphore_mem>> -> memref<1x!tpu.dma_semaphore, #tpu.memory_space<semaphore_mem>>
      %dma_start3A_55 = tpu.memref_squeeze %dma_start3A_54 : memref<1x!tpu.dma_semaphore, #tpu.memory_space<semaphore_mem>> -> memref<!tpu.dma_semaphore, #tpu.memory_space<semaphore_mem>>
      %dma_start3A_56 = arith.constant 0 : i32
      %dma_start3A_57 = arith.constant 0 : i32
      %dma_start3A_58 = tpu.memref_slice %run_scoped3A[%rem3A_46, %dma_start3A_56, %dma_start3A_57] : memref<2x1x16384xf32, #tpu.memory_space<vmem>> -> memref<1x1x16384xf32, #tpu.memory_space<vmem>>
      %dma_start3A_59 = tpu.memref_squeeze %dma_start3A_58 : memref<1x1x16384xf32, #tpu.memory_space<vmem>> -> memref<1x16384xf32, #tpu.memory_space<vmem>>
      %dma_start3A_60 = arith.constant 0 : i32
      %dma_start3A_61 = tpu.memref_slice %arg2[%mul3A_48, %dma_start3A_60] : memref<2048x16384xf32, #tpu.memory_space<hbm>> -> memref<1x16384xf32, #tpu.memory_space<hbm>>
      tpu.enqueue_dma source(%dma_start3A_61 : memref<1x16384xf32, #tpu.memory_space<hbm>>) target(%dma_start3A_59 : memref<1x16384xf32, #tpu.memory_space<vmem>>) target_semaphore(%dma_start3A_55 : memref<!tpu.dma_semaphore, #tpu.memory_space<semaphore_mem>>)
      %add3A_62 = arith.constant 0 : i32
      %add3A_63 = arith.constant 1 : i32
      %add3A_64 = arith.addi %add3A_62, %add3A_63 : i32
      %select_n3A_65 = arith.constant true
      %select_n3A_66 = arith.constant 0 : i32
      %select_n3A_67 = arith.select %select_n3A_65, %add3A_64, %select_n3A_66 : i32
      "tpu.trace_stop"() : () -> ()
      %scan3A_68 = arith.constant 0 : i32
      %scan3A_69 = arith.constant 0 : i32
      %scan3A_70 = arith.constant 0 : i32
      %scan3A_71 = arith.constant 64 : i32
      %scan3A_72 = arith.addi %scan3A_70, %scan3A_71 : i32
      %scan3A_73 = arith.constant 1 : i32
      %scan3A_74:3 = scf.for %scan3A_111 = %scan3A_70 to %scan3A_72 step %scan3A_73 iter_args(%scan3A_112 = %select_n3A_67, %scan3A_113 = %scan3A_68, %scan3A_114 = %scan3A_69) -> (i32, i32, i32)  : i32 {
        %eq3A_115 = arith.constant 0 : i32
        %eq3A_116 = arith.cmpi eq, %scan3A_111, %eq3A_115 : i32
        %eq3A_117 = arith.constant 63 : i32
        %eq3A_118 = arith.cmpi eq, %scan3A_111, %eq3A_117 : i32
        %add3A_119 = arith.addi %scan3A_114, %mul3A_13 : i32
        %sub3A_120 = arith.constant 1 : i32
        %sub3A_121 = arith.subi %scan3A_114, %sub3A_120 : i32
        %select_n3A_122 = arith.constant true
        %select_n3A_123 = arith.select %select_n3A_122, %sub3A_121, %scan3A_114 : i32
        %eq3A_124 = arith.constant -1 : i32
        %eq3A_125 = arith.cmpi eq, %select_n3A_123, %eq3A_124 : i32
        %select_n3A_126 = arith.constant 63 : i32
        %select_n3A_127 = arith.select %eq3A_125, %select_n3A_126, %select_n3A_123 : i32
        %add3A_128 = arith.addi %select_n3A_127, %mul3A_13 : i32
        %add3A_129 = arith.constant 1 : i32
        %add3A_130 = arith.addi %scan3A_114, %add3A_129 : i32
        %select_n3A_131 = arith.constant true
        %select_n3A_132 = arith.select %select_n3A_131, %add3A_130, %scan3A_114 : i32
        %eq3A_133 = arith.constant 64 : i32
        %eq3A_134 = arith.cmpi eq, %select_n3A_132, %eq3A_133 : i32
        %select_n3A_135 = arith.constant 0 : i32
        %select_n3A_136 = arith.select %eq3A_134, %select_n3A_135, %select_n3A_132 : i32
        %add3A_137 = arith.addi %select_n3A_136, %mul3A_13 : i32
        %add3A_138 = arith.constant 1 : i32
        %add3A_139 = arith.addi %select_n3A_136, %add3A_138 : i32
        %select_n3A_140 = arith.constant true
        %select_n3A_141 = arith.select %select_n3A_140, %add3A_139, %select_n3A_136 : i32
        %eq3A_142 = arith.constant 64 : i32
        %eq3A_143 = arith.cmpi eq, %select_n3A_141, %eq3A_142 : i32
        %select_n3A_144 = arith.constant 0 : i32
        %select_n3A_145 = arith.select %eq3A_143, %select_n3A_144, %select_n3A_141 : i32
        %add3A_146 = arith.addi %select_n3A_145, %mul3A_13 : i32
        %ne3A = arith.cmpi ne, %add3A_119, %add3A_137 : i32
        %or3A = arith.constant false
        %or3A_147 = arith.ori %or3A, %ne3A : i1
        %or3A_148 = arith.constant false
        %or3A_149 = arith.ori %or3A_147, %or3A_148 : i1
        %ge3A = arith.constant 63 : i32
        %ge3A_150 = arith.cmpi sge, %scan3A_111, %ge3A : i32
        %not3A = arith.constant true
        %not3A_151 = arith.xori %ge3A_150, %not3A : i1
        %and3A = arith.andi %or3A_149, %not3A_151 : i1
        %convert_element_type3A = arith.extui %and3A : i1 to i32
        %cond3A = arith.constant 0 : i32
        %cond3A_152 = arith.cmpi ne, %convert_element_type3A, %cond3A : i32
        scf.if %cond3A_152 {
          "tpu.trace_start"() <{level = 10 : i32, message = "ep_copy_in"}> : () -> ()
          %rem3A_215 = arith.constant 2 : i32
          %rem3A_216 = arith.remui %scan3A_112, %rem3A_215 : i32
          %mul3A_217 = arith.constant 1 : i32
          %mul3A_218 = arith.muli %mul3A_217, %add3A_137 : i32
          %dma_start3A_219 = arith.constant 0 : i32
          %dma_start3A_220 = arith.constant 0 : i32
          %dma_start3A_221 = tpu.memref_slice %run_scoped3A[%rem3A_216, %dma_start3A_219, %dma_start3A_220] : memref<2x1x16384xf32, #tpu.memory_space<vmem>> -> memref<1x1x16384xf32, #tpu.memory_space<vmem>>
          %dma_start3A_222 = tpu.memref_squeeze %dma_start3A_221 : memref<1x1x16384xf32, #tpu.memory_space<vmem>> -> memref<1x16384xf32, #tpu.memory_space<vmem>>
          %dma_start3A_223 = arith.constant 0 : i32
          %dma_start3A_224 = tpu.memref_slice %arg2[%mul3A_218, %dma_start3A_223] : memref<2048x16384xf32, #tpu.memory_space<hbm>> -> memref<1x16384xf32, #tpu.memory_space<hbm>>
          %dma_start3A_225 = tpu.memref_slice %run_scoped3A_17[%rem3A_216] : memref<2x!tpu.dma_semaphore, #tpu.memory_space<semaphore_mem>> -> memref<1x!tpu.dma_semaphore, #tpu.memory_space<semaphore_mem>>
          %dma_start3A_226 = tpu.memref_squeeze %dma_start3A_225 : memref<1x!tpu.dma_semaphore, #tpu.memory_space<semaphore_mem>> -> memref<!tpu.dma_semaphore, #tpu.memory_space<semaphore_mem>>
          %dma_start3A_227 = arith.constant 0 : i32
          %dma_start3A_228 = arith.constant 0 : i32
          %dma_start3A_229 = tpu.memref_slice %run_scoped3A[%rem3A_216, %dma_start3A_227, %dma_start3A_228] : memref<2x1x16384xf32, #tpu.memory_space<vmem>> -> memref<1x1x16384xf32, #tpu.memory_space<vmem>>
          %dma_start3A_230 = tpu.memref_squeeze %dma_start3A_229 : memref<1x1x16384xf32, #tpu.memory_space<vmem>> -> memref<1x16384xf32, #tpu.memory_space<vmem>>
          %dma_start3A_231 = arith.constant 0 : i32
          %dma_start3A_232 = tpu.memref_slice %arg2[%mul3A_218, %dma_start3A_231] : memref<2048x16384xf32, #tpu.memory_space<hbm>> -> memref<1x16384xf32, #tpu.memory_space<hbm>>
          tpu.enqueue_dma source(%dma_start3A_232 : memref<1x16384xf32, #tpu.memory_space<hbm>>) target(%dma_start3A_230 : memref<1x16384xf32, #tpu.memory_space<vmem>>) target_semaphore(%dma_start3A_226 : memref<!tpu.dma_semaphore, #tpu.memory_space<semaphore_mem>>)
          "tpu.trace_stop"() : () -> ()
        } else {
        }
        %and3A_153 = arith.constant true
        %and3A_154 = arith.andi %and3A, %and3A_153 : i1
        %add3A_155 = arith.constant 1 : i32
        %add3A_156 = arith.addi %scan3A_112, %add3A_155 : i32
        %select_n3A_157 = arith.select %and3A_154, %add3A_156, %scan3A_112 : i32
        %ne3A_158 = arith.cmpi ne, %add3A_119, %add3A_128 : i32
        %or3A_159 = arith.constant false
        %or3A_160 = arith.ori %or3A_159, %ne3A_158 : i1
        %or3A_161 = arith.constant false
        %or3A_162 = arith.ori %or3A_160, %or3A_161 : i1
        %or3A_163 = arith.ori %or3A_162, %eq3A_116 : i1
        %convert_element_type3A_164 = arith.extui %or3A_163 : i1 to i32
        %cond3A_165 = arith.constant 0 : i32
        %cond3A_166 = arith.cmpi ne, %convert_element_type3A_164, %cond3A_165 : i32
        scf.if %cond3A_166 {
          "tpu.trace_start"() <{level = 10 : i32, message = "ep_wait_in"}> : () -> ()
          %mul3A_215 = arith.constant 1 : i32
          %mul3A_216 = arith.muli %mul3A_215, %add3A_119 : i32
          %rem3A_217 = arith.constant 2 : i32
          %rem3A_218 = arith.remui %scan3A_113, %rem3A_217 : i32
          %dma_wait3A = arith.constant 0 : i32
          %dma_wait3A_219 = arith.constant 0 : i32
          %dma_wait3A_220 = tpu.memref_slice %run_scoped3A[%rem3A_218, %dma_wait3A, %dma_wait3A_219] : memref<2x1x16384xf32, #tpu.memory_space<vmem>> -> memref<1x1x16384xf32, #tpu.memory_space<vmem>>
          %dma_wait3A_221 = tpu.memref_squeeze %dma_wait3A_220 : memref<1x1x16384xf32, #tpu.memory_space<vmem>> -> memref<1x16384xf32, #tpu.memory_space<vmem>>
          %dma_wait3A_222 = arith.constant 0 : i32
          %dma_wait3A_223 = tpu.memref_slice %arg2[%mul3A_216, %dma_wait3A_222] : memref<2048x16384xf32, #tpu.memory_space<hbm>> -> memref<1x16384xf32, #tpu.memory_space<hbm>>
          %dma_wait3A_224 = tpu.memref_slice %run_scoped3A_17[%rem3A_218] : memref<2x!tpu.dma_semaphore, #tpu.memory_space<semaphore_mem>> -> memref<1x!tpu.dma_semaphore, #tpu.memory_space<semaphore_mem>>
          %dma_wait3A_225 = tpu.memref_squeeze %dma_wait3A_224 : memref<1x!tpu.dma_semaphore, #tpu.memory_space<semaphore_mem>> -> memref<!tpu.dma_semaphore, #tpu.memory_space<semaphore_mem>>
          %dma_wait3A_226 = arith.constant 0 : i32
          %dma_wait3A_227 = arith.constant 0 : i32
          %dma_wait3A_228 = tpu.memref_slice %run_scoped3A[%rem3A_218, %dma_wait3A_226, %dma_wait3A_227] : memref<2x1x16384xf32, #tpu.memory_space<vmem>> -> memref<1x1x16384xf32, #tpu.memory_space<vmem>>
          %dma_wait3A_229 = tpu.memref_squeeze %dma_wait3A_228 : memref<1x1x16384xf32, #tpu.memory_space<vmem>> -> memref<1x16384xf32, #tpu.memory_space<vmem>>
          %dma_wait3A_230 = arith.constant 0 : i32
          %dma_wait3A_231 = tpu.memref_slice %arg2[%mul3A_216, %dma_wait3A_230] : memref<2048x16384xf32, #tpu.memory_space<hbm>> -> memref<1x16384xf32, #tpu.memory_space<hbm>>
          tpu.wait_dma2 semaphore(%dma_wait3A_225 : memref<!tpu.dma_semaphore, #tpu.memory_space<semaphore_mem>>) src(%dma_wait3A_231 : memref<1x16384xf32, #tpu.memory_space<hbm>>) dst(%dma_wait3A_229 : memref<1x16384xf32, #tpu.memory_space<vmem>>)
          "tpu.trace_stop"() : () -> ()
        } else {
        }
        %rem3A_167 = arith.constant 2 : i32
        %rem3A_168 = arith.remui %scan3A_113, %rem3A_167 : i32
        "tpu.trace_start"() <{level = 10 : i32, message = "ep_run_kernel"}> : () -> ()
        %scan3A_169 = arith.constant 0 : i32
        %scan3A_170 = arith.constant 1024 : i32
        %scan3A_171 = arith.addi %scan3A_169, %scan3A_170 : i32
        %scan3A_172 = arith.constant 1 : i32
        scf.for %scan3A_215 = %scan3A_169 to %scan3A_171 step %scan3A_172  : i32 {
          %mul3A_216 = arith.constant 16 : i32
          %mul3A_217 = arith.muli %scan3A_215, %mul3A_216 : i32
          %add3A_218 = arith.constant 0 : i32
          %add3A_219 = arith.addi %add3A_218, %mul3A_217 : i32
          %get3A = arith.constant 0 : i32
          %get3A_220 = arith.constant 0 : i32
          %get3A_221 = arith.constant 0 : i32
          %get3A_222 = tpu.memref_slice %run_scoped3A[%rem3A_168, %get3A_220, %get3A_221] : memref<2x1x16384xf32, #tpu.memory_space<vmem>> -> memref<1x1x16384xf32, #tpu.memory_space<vmem>>
          %get3A_223 = tpu.memref_squeeze %get3A_222 : memref<1x1x16384xf32, #tpu.memory_space<vmem>> -> memref<1x16384xf32, #tpu.memory_space<vmem>>
          %get3A_224 = arith.index_cast %get3A : i32 to index
          %get3A_225 = arith.index_cast %add3A_219 : i32 to index
          %get3A_226 = tpu.vector_load %get3A_223[%get3A_224, %get3A_225] {strides = array<i32>} : memref<1x16384xf32, #tpu.memory_space<vmem>>, vector<16xf32>,
          %bitcast3A = vector.bitcast %get3A_226 : vector<16xf32> to vector<16xi32>
          %and3A_227 = arith.constant 2147483647 : i32
          %and3A_228 = vector.broadcast %and3A_227 : i32 to vector<16xi32>
          %and3A_229 = arith.andi %bitcast3A, %and3A_228 : vector<16xi32>
          %shift_right_arithmetic3A = arith.constant 15 : i32
          %shift_right_arithmetic3A_230 = vector.broadcast %shift_right_arithmetic3A : i32 to vector<16xi32>
          %shift_right_arithmetic3A_231 = arith.shrsi %and3A_229, %shift_right_arithmetic3A_230 : vector<16xi32>
          tpu.vector_store_idx %arg4[%shift_right_arithmetic3A_231], %broadcast_in_dim3A_6 {add = true} : memref<65536xi32, #tpu.memory_space<vmem>>[vector<16xi32>], vector<16xi32>,
        }
        %scan3A_173 = arith.constant 1024 : i32
        "tpu.trace_stop"() : () -> ()
        %ne3A_174 = arith.cmpi ne, %add3A_119, %add3A_137 : i32
        %or3A_175 = arith.constant false
        %or3A_176 = arith.ori %or3A_175, %ne3A_174 : i1
        %or3A_177 = arith.constant false
        %or3A_178 = arith.ori %or3A_176, %or3A_177 : i1
        %or3A_179 = arith.ori %or3A_178, %eq3A_118 : i1
        %convert_element_type3A_180 = arith.extui %or3A_179 : i1 to i32
        %cond3A_181 = arith.constant 0 : i32
        %cond3A_182 = arith.cmpi ne, %convert_element_type3A_180, %cond3A_181 : i32
        scf.if %cond3A_182 {
        } else {
        }
        %and3A_183 = arith.constant false
        %and3A_184 = arith.andi %or3A_179, %and3A_183 : i1
        %ne3A_185 = arith.cmpi ne, %add3A_119, %add3A_128 : i32
        %or3A_186 = arith.constant false
        %or3A_187 = arith.ori %or3A_186, %ne3A_185 : i1
        %or3A_188 = arith.constant false
        %or3A_189 = arith.ori %or3A_187, %or3A_188 : i1
        %not3A_190 = arith.constant true
        %not3A_191 = arith.xori %eq3A_116, %not3A_190 : i1
        %and3A_192 = arith.andi %or3A_189, %not3A_191 : i1
        %convert_element_type3A_193 = arith.extui %and3A_192 : i1 to i32
        %cond3A_194 = arith.constant 0 : i32
        %cond3A_195 = arith.cmpi ne, %convert_element_type3A_193, %cond3A_194 : i32
        scf.if %cond3A_195 {
        } else {
        }
        %and3A_196 = arith.constant false
        %and3A_197 = arith.andi %and3A_192, %and3A_196 : i1
        %ne3A_198 = arith.cmpi ne, %add3A_119, %add3A_137 : i32
        %or3A_199 = arith.constant false
        %or3A_200 = arith.ori %or3A_199, %ne3A_198 : i1
        %or3A_201 = arith.constant false
        %or3A_202 = arith.ori %or3A_200, %or3A_201 : i1
        %or3A_203 = arith.ori %or3A_202, %eq3A_118 : i1
        %add3A_204 = arith.constant 1 : i32
        %add3A_205 = arith.addi %scan3A_113, %add3A_204 : i32
        %select_n3A_206 = arith.select %or3A_203, %add3A_205, %scan3A_113 : i32
        %add3A_207 = arith.constant 1 : i32
        %add3A_208 = arith.addi %scan3A_114, %add3A_207 : i32
        %select_n3A_209 = arith.constant true
        %select_n3A_210 = arith.select %select_n3A_209, %add3A_208, %scan3A_114 : i32
        %eq3A_211 = arith.constant 64 : i32
        %eq3A_212 = arith.cmpi eq, %select_n3A_210, %eq3A_211 : i32
        %select_n3A_213 = arith.constant 0 : i32
        %select_n3A_214 = arith.select %eq3A_212, %select_n3A_213, %select_n3A_210 : i32
        scf.yield %select_n3A_157, %select_n3A_206, %select_n3A_214 : i32, i32, i32
      }
      %scan3A_75 = arith.constant 64 : i32
      %sub3A = arith.constant 1 : i32
      %sub3A_76 = arith.subi %scan3A_74#2, %sub3A : i32
      %select_n3A_77 = arith.constant true
      %select_n3A_78 = arith.select %select_n3A_77, %sub3A_76, %scan3A_74#2 : i32
      %eq3A_79 = arith.constant -1 : i32
      %eq3A_80 = arith.cmpi eq, %select_n3A_78, %eq3A_79 : i32
      %select_n3A_81 = arith.constant 63 : i32
      %select_n3A_82 = arith.select %eq3A_80, %select_n3A_81, %select_n3A_78 : i32
      %add3A_83 = arith.addi %select_n3A_82, %mul3A_13 : i32
      %sub3A_84 = arith.constant 1 : i32
      %sub3A_85 = arith.subi %select_n3A_82, %sub3A_84 : i32
      %select_n3A_86 = arith.constant true
      %select_n3A_87 = arith.select %select_n3A_86, %sub3A_85, %select_n3A_82 : i32
      %eq3A_88 = arith.constant -1 : i32
      %eq3A_89 = arith.cmpi eq, %select_n3A_87, %eq3A_88 : i32
      %select_n3A_90 = arith.constant 63 : i32
      %select_n3A_91 = arith.select %eq3A_89, %select_n3A_90, %select_n3A_87 : i32
      %add3A_92 = arith.addi %select_n3A_91, %mul3A_13 : i32
      %add3A_93 = arith.constant 1 : i32
      %add3A_94 = arith.addi %select_n3A_82, %add3A_93 : i32
      %select_n3A_95 = arith.constant true
      %select_n3A_96 = arith.select %select_n3A_95, %add3A_94, %select_n3A_82 : i32
      %eq3A_97 = arith.constant 64 : i32
      %eq3A_98 = arith.cmpi eq, %select_n3A_96, %eq3A_97 : i32
      %select_n3A_99 = arith.constant 0 : i32
      %select_n3A_100 = arith.select %eq3A_98, %select_n3A_99, %select_n3A_96 : i32
      %add3A_101 = arith.addi %select_n3A_100, %mul3A_13 : i32
      %add3A_102 = arith.constant 1 : i32
      %add3A_103 = arith.addi %select_n3A_100, %add3A_102 : i32
      %select_n3A_104 = arith.constant true
      %select_n3A_105 = arith.select %select_n3A_104, %add3A_103, %select_n3A_100 : i32
      %eq3A_106 = arith.constant 64 : i32
      %eq3A_107 = arith.cmpi eq, %select_n3A_105, %eq3A_106 : i32
      %select_n3A_108 = arith.constant 0 : i32
      %select_n3A_109 = arith.select %eq3A_107, %select_n3A_108, %select_n3A_105 : i32
      %add3A_110 = arith.addi %select_n3A_109, %mul3A_13 : i32
      tpu.yield
    }) : () -> ()
    %mul3A_14 = arith.constant 2 : i32
    %mul3A_15 = arith.muli %arg1, %mul3A_14 : i32
    %add3A_16 = arith.addi %mul3A_15, %arg0 : i32
    "tpu.region"() ({
      %run_scoped3A = tpu.sem_alloc : memref<!tpu.dma_semaphore, #tpu.memory_space<semaphore_mem>>
      %dma_start3A = arith.constant 0 : i32
      %dma_start3A_17 = tpu.memref_slice %arg3[%add3A_16, %dma_start3A] : memref<32x65536xi32, #tpu.memory_space<hbm>> -> memref<1x65536xi32, #tpu.memory_space<hbm>>
      %dma_start3A_18 = tpu.memref_squeeze %dma_start3A_17 : memref<1x65536xi32, #tpu.memory_space<hbm>> -> memref<65536xi32, #tpu.memory_space<hbm>>
      %dma_start3A_19 = arith.constant 0 : i32
      %dma_start3A_20 = tpu.memref_slice %arg3[%add3A_16, %dma_start3A_19] : memref<32x65536xi32, #tpu.memory_space<hbm>> -> memref<1x65536xi32, #tpu.memory_space<hbm>>
      %dma_start3A_21 = tpu.memref_squeeze %dma_start3A_20 : memref<1x65536xi32, #tpu.memory_space<hbm>> -> memref<65536xi32, #tpu.memory_space<hbm>>
      tpu.enqueue_dma source(%arg4 : memref<65536xi32, #tpu.memory_space<vmem>>) target(%dma_start3A_21 : memref<65536xi32, #tpu.memory_space<hbm>>) target_semaphore(%run_scoped3A : memref<!tpu.dma_semaphore, #tpu.memory_space<semaphore_mem>>)
      %dma_wait3A = arith.constant 0 : i32
      %dma_wait3A_22 = tpu.memref_slice %arg3[%add3A_16, %dma_wait3A] : memref<32x65536xi32, #tpu.memory_space<hbm>> -> memref<1x65536xi32, #tpu.memory_space<hbm>>
      %dma_wait3A_23 = tpu.memref_squeeze %dma_wait3A_22 : memref<1x65536xi32, #tpu.memory_space<hbm>> -> memref<65536xi32, #tpu.memory_space<hbm>>
      %dma_wait3A_24 = arith.constant 0 : i32
      %dma_wait3A_25 = tpu.memref_slice %arg3[%add3A_16, %dma_wait3A_24] : memref<32x65536xi32, #tpu.memory_space<hbm>> -> memref<1x65536xi32, #tpu.memory_space<hbm>>
      %dma_wait3A_26 = tpu.memref_squeeze %dma_wait3A_25 : memref<1x65536xi32, #tpu.memory_space<hbm>> -> memref<65536xi32, #tpu.memory_space<hbm>>
      tpu.wait_dma2 semaphore(%run_scoped3A : memref<!tpu.dma_semaphore, #tpu.memory_space<semaphore_mem>>) src(%arg4 : memref<65536xi32, #tpu.memory_space<vmem>>) dst(%dma_wait3A_26 : memref<65536xi32, #tpu.memory_space<hbm>>)
      tpu.yield
    }) : () -> ()
    return
  }
}

module attributes {stable_mosaic.version = 14 : i64} {
  func.func @body(%arg0: memref<32x65536xi32, #tpu.memory_space<vmem>>, %arg1: memref<1x1xf32, #tpu.memory_space<vmem>>) attributes {dimension_semantics = [], scalar_prefetch = 0 : i64, scratch_operands = 0 : i64, tpu.core_type = #tpu.core_type<tc>} {
    %get3A = arith.constant 0 : index
    %get3A_0 = arith.constant 0 : index
    %get3A_1 = vector.load %arg0[%get3A, %get3A_0] : memref<32x65536xi32, #tpu.memory_space<vmem>>, vector<32x65536xi32>
    %reshape3A = vector.shape_cast %get3A_1 : vector<32x65536xi32> to vector<32x512x128xi32>
    %reduce_sum3A = arith.constant dense<0> : vector<512x128xi32>
    %reduce_sum3A_2 = vector.multi_reduction <add>, %reshape3A, %reduce_sum3A [0] : vector<32x512x128xi32> to vector<512x128xi32>
    %iota3A = tpu.iota {dimensions = array<i32: 0>} : vector<512x128xi32>
    %iota3A_3 = tpu.iota {dimensions = array<i32: 1>} : vector<512x128xi32>
    %mul3A = arith.constant 128 : i32
    %mul3A_4 = vector.broadcast %mul3A : i32 to vector<512x128xi32>
    %mul3A_5 = arith.muli %iota3A, %mul3A_4 : vector<512x128xi32>
    %add3A = arith.addi %mul3A_5, %iota3A_3 : vector<512x128xi32>
    %scan3A = arith.constant 0 : i32
    %scan3A_6 = arith.constant 65535 : i32
    %scan3A_7 = arith.constant 0 : i32
    %scan3A_8 = arith.constant 17 : i32
    %scan3A_9 = arith.addi %scan3A_7, %scan3A_8 : i32
    %scan3A_10 = arith.constant 1 : i32
    %scan3A_11:2 = scf.for %scan3A_24 = %scan3A_7 to %scan3A_9 step %scan3A_10 iter_args(%scan3A_25 = %scan3A, %scan3A_26 = %scan3A_6) -> (i32, i32)  : i32 {
      %add3A_27 = arith.addi %scan3A_25, %scan3A_26 : i32
      %jit3A = arith.constant 2 : i32
      %div3A = arith.divsi %add3A_27, %jit3A : i32
      %sign3A = arith.constant 0 : i32
      %sign3A_28 = arith.cmpi sgt, %add3A_27, %sign3A : i32
      %sign3A_29 = arith.extui %sign3A_28 : i1 to i32
      %sign3A_30 = arith.constant 0 : i32
      %sign3A_31 = arith.cmpi slt, %add3A_27, %sign3A_30 : i32
      %sign3A_32 = arith.extui %sign3A_31 : i1 to i32
      %sign3A_33 = arith.subi %sign3A_29, %sign3A_32 : i32
      %sign3A_34 = arith.constant 0 : i32
      %sign3A_35 = arith.cmpi sgt, %jit3A, %sign3A_34 : i32
      %sign3A_36 = arith.extui %sign3A_35 : i1 to i32
      %sign3A_37 = arith.constant 0 : i32
      %sign3A_38 = arith.cmpi slt, %jit3A, %sign3A_37 : i32
      %sign3A_39 = arith.extui %sign3A_38 : i1 to i32
      %sign3A_40 = arith.subi %sign3A_36, %sign3A_39 : i32
      %ne3A = arith.cmpi ne, %sign3A_33, %sign3A_40 : i32
      %rem3A = arith.remsi %add3A_27, %jit3A : i32
      %ne3A_41 = arith.constant 0 : i32
      %ne3A_42 = arith.cmpi ne, %rem3A, %ne3A_41 : i32
      %and3A = arith.andi %ne3A, %ne3A_42 : i1
      %sub3A = arith.constant 1 : i32
      %sub3A_43 = arith.subi %div3A, %sub3A : i32
      %select_n3A = arith.select %and3A, %sub3A_43, %div3A : i32
      %le3A = vector.broadcast %select_n3A : i32 to vector<512x128xi32>
      %le3A_44 = arith.cmpi sle, %add3A, %le3A : vector<512x128xi32>
      %jit3A_45 = arith.constant 0 : i32
      %broadcast_in_dim3A_46 = vector.broadcast %jit3A_45 : i32 to vector<512x128xi32>
      %select_n3A_47 = arith.select %le3A_44, %reduce_sum3A_2, %broadcast_in_dim3A_46 : vector<512x128xi1>, vector<512x128xi32>
      %reduce_sum3A_48 = vector.shape_cast %select_n3A_47 : vector<512x128xi32> to vector<1x512x128xi32>
      %reduce_sum3A_49 = arith.constant dense<0> : vector<1xi32>
      %reduce_sum3A_50 = vector.multi_reduction <add>, %reduce_sum3A_48, %reduce_sum3A_49 [1, 2] : vector<1x512x128xi32> to vector<1xi32>
      %reduce_sum3A_51 = vector.shape_cast %reduce_sum3A_50 : vector<1xi32> to vector<1x1x1xi32>
      %reduce_sum3A_52 = vector.extract %reduce_sum3A_51[0, 0, 0] : i32 from vector<1x1x1xi32>
      %ge3A = arith.constant 33551076 : i32
      %ge3A_53 = arith.cmpi sge, %reduce_sum3A_52, %ge3A : i32
      %add3A_54 = arith.constant 1 : i32
      %add3A_55 = arith.addi %select_n3A, %add3A_54 : i32
      %select_n3A_56 = arith.select %ge3A_53, %scan3A_25, %add3A_55 : i32
      %select_n3A_57 = arith.select %ge3A_53, %select_n3A, %scan3A_26 : i32
      scf.yield %select_n3A_56, %select_n3A_57 : i32, i32
    }
    %shift_left3A = arith.constant 15 : i32
    %shift_left3A_12 = arith.shli %scan3A_11#0, %shift_left3A : i32
    %add3A_13 = arith.constant 1 : i32
    %add3A_14 = arith.addi %scan3A_11#0, %add3A_13 : i32
    %shift_left3A_15 = arith.constant 15 : i32
    %shift_left3A_16 = arith.shli %add3A_14, %shift_left3A_15 : i32
    %min3A = arith.constant 2139095039 : i32
    %min3A_17 = arith.minsi %shift_left3A_16, %min3A : i32
    %bitcast_convert_type3A = arith.bitcast %shift_left3A_12 : i32 to f32
    %bitcast_convert_type3A_18 = arith.bitcast %min3A_17 : i32 to f32
    %add3A_19 = arith.addf %bitcast_convert_type3A, %bitcast_convert_type3A_18 : f32
    %mul3A_20 = arith.constant 5.000000e-01 : f32
    %mul3A_21 = arith.mulf %mul3A_20, %add3A_19 : f32
    %broadcast_in_dim3A = vector.broadcast %mul3A_21 : f32 to vector<1x1xf32>
    %swap3A = arith.constant 0 : index
    %swap3A_22 = arith.constant 0 : index
    %swap3A_23 = vector.load %arg1[%swap3A, %swap3A_22] : memref<1x1xf32, #tpu.memory_space<vmem>>, vector<1x1xf32>
    tpu.vector_store %arg1[%swap3A, %swap3A_22], %broadcast_in_dim3A {strides = array<i32>} : memref<1x1xf32, #tpu.memory_space<vmem>>, vector<1x1xf32>,
    return
  }
}

</mosaic_0001>

<sc_bundles>
// kernel: kernel.4.cloned.1.call-start
scs
__scs_entry_jumppad:
0x0: {  	(pc) =	sbr.rel $0x88, $3  }
0x1: {  	(tag) =	ssettag $0x0;
	lr =	simm.s32 $0x1  }
0x2: {  	[smem:$0x3FA0] =	sst lr;
	_ =	strace $0xD0000000  }
0x3: {  	_ = 	snop  }
0x4: {  	_ = 	snop  }
0x5: {  	_ = 	snop  }
0x6: {  	_ = 	snop  }
0x7: {  	_ = 	snop  }
__scs_overlays_trampoline_lowered:
0x8: {  	[smem:$0x3FAF] =	sst s0  }
0x9: {  	[smem:$0x3FB0] =	sst s1  }
0xa: {  	[smem:$0x3FB1] =	sst s2  }
0xb: {  	[smem:$0x3FB2] =	sst s3  }
0xc: {  	[smem:$0x3FB3] =	sst s4  }
0xd: {  	[smem:$0x3FB4] =	sst s5  }
0xe: {  	[smem:$0x3FB5] =	sst s6  }
0xf: {  	[smem:$0x3FB6] =	sst s7  }
0x10: {  	[smem:$0x3FB7] =	sst s8  }
0x11: {  	[smem:$0x3FB8] =	sst s9;
	s0 =	simm.s32 @!p0 $0x0  }
0x12: {  	s1 =	sld [smem:$0x3F9E];
	s0 =	simm.s32 @p0 $0x1  }
0x13: {  	[smem:$0x3FB9] =	sst s0;
	s0 =	simm.s32 @!p1 $0x0  }
0x14: {  	s2 =	sld [smem:$0x3F9D];
	s0 =	simm.s32 @p1 $0x1  }
0x15: {  	[smem:$0x3FBA] =	sst s0;
	s0 =	simm.s32 @!p2 $0x0  }
0x16: {  	s3 =	sld [smem:$0x3FDB];
	s0 =	simm.s32 @p2 $0x1  }
0x17: {  	s4 =	simm.s32 $0x1BF5;
	[smem:$0x3FBC] =	sst s0  }
0x18: {  	s0 =	sld [smem:$0x3F9F];
	_ =	swait.ge [sflag:s4], $0x0  }
0x19: {  	s7 =	sld [smem:$0x3FA0]  }
0x1a: {  	s8 =	sadd.s32 $0xFFFFE003, lr  }
0x1b: {  	s9 =	sadd.s32 $0xFFFFFEF7, lr;
	s5 =	simm.s32 $0xFFFFFFFF;
	p2 =	slt.u32 s8, $0xFFFFF086  }
0x1c: {  	p1 =	slt.u32 s9, $0xF7A;
	s5 =	simm.s32 @!p2 $0x0  }
0x1d: {  	s5 =	simm.s32 @p1 $0x1;
	p0 =	seq.s32 s7, s2  }
0x1e: {  	s7 =	smul.u32 @!p0 $0xF7A, s2;
	p2 =	seq.s32 @!p0 s5, $0x0  }
0x1f: {  	s9 =	smul.u32 $0xF7A, s1;
	s8 =	simm.s32 @!p0 $0x1BF5;
	p2 =	por !p2, p0  }
0x20: {  	[sflag:s8] =	ssyncset.s32 @!p0 $0xFFFFF086;
	s6 =	sadd.s32 @!p0 s3, s7;
	s7 =	simm.s32 @!p0 $0x108  }
0x21: {  	s3 =	sadd.s32 s3, s9;
	s6 =	sadd.s32 @!p0 $0x88, s6;
	s7 =	simm.s32 @p2 $0x1082  }
0x22: {  	[simem:s7], [sflag:s8] =	dma.local @!p0 [hbm:s6], $0xF7A  }
0x23: {  	s9 =	sor.u32 $0xD0000000, s2;
	s6 =	simm.s32 $0x108;
	_ =	swait.ge @!p0 [sflag:s8], $0x0  }
0x24: {  	s3 =	sadd.s32 $0x88, s3;
	s6 =	simm.s32 @!p1 $0x1082;
	[sflag:s4] =	ssyncset.s32 $0xFFFFF086  }
0x25: {  	[simem:s6], [sflag:s4] =	dma.local [hbm:s3], $0xF7A  }
0x26: {  	[smem:$0x3FA0] =	sst s1;
	(tag) =	ssettag s2;
	_ =	strace s9  }
0x27: {  	s1 =	sld [smem:$0x3FB0]  }
0x28: {  	s2 =	sld [smem:$0x3FB1]  }
0x29: {  	s4 =	sld [smem:$0x3FB3]  }
0x2a: {  	p0 =	seq.s32 s5, $0x0;
	s5 =	sld [smem:$0x3FB4]  }
0x2b: {  	s6 =	sld [smem:$0x3FB5]  }
0x2c: {  	s7 =	sld [smem:$0x3FB6]  }
0x2d: {  	s3 =	simm.s32 $0x108;
	s8 =	sld [smem:$0x3FB7]  }
0x2e: {  	s3 =	simm.s32 @!p0 $0x1082;
	s9 =	sld [smem:$0x3FB8]  }
0x2f: {  	lr =	sadd.s32 s0, s3;
	s0 =	sld [smem:$0x3FAF]  }
0x30: {  	s3 =	sld [smem:$0x3FB2]  }
0x31: {  	[smem:$0x3FBB] =	sst s10  }
0x32: {  	s10 =	sld [smem:$0x3FB9];
	_ =	sdelay $0x3  }
0x33: {  	p0 =	seq.s32 s10, $0x1;
	s10 =	sld [smem:$0x3FBB];
	_ =	sdelay $0x3  }
0x34: {  	[smem:$0x3FBB] =	sst s10  }
0x35: {  	s10 =	sld [smem:$0x3FBA];
	_ =	sdelay $0x3  }
0x36: {  	p1 =	seq.s32 s10, $0x1;
	s10 =	sld [smem:$0x3FBB];
	_ =	sdelay $0x3  }
0x37: {  	[smem:$0x3FBB] =	sst s10  }
0x38: {  	s10 =	sld [smem:$0x3FBC]  }
0x39: {  	_ = 	snop;
	(pc) =	sbr.ind lr, $3  }
0x3a: {  	_ = 	snop  }
0x3b: {  	_ = 	snop  }
0x3c: {  	p2 =	seq.s32 s10, $0x1;
	s10 =	sld [smem:$0x3FBB]  }
0x3d: {  	_ =	shalt  }
0x3e: {  	_ =	shalt  }
0x3f: {  	_ =	shalt  }
0x40: {  	_ =	shalt  }
0x41: {  	_ =	shalt  }
0x42: {  	_ =	shalt  }
0x43: {  	_ =	shalt  }
0x44: {  	_ =	shalt  }
0x45: {  	_ =	shalt  }
0x46: {  	_ =	shalt  }
0x47: {  	_ =	shalt  }
0x48: {  	_ =	shalt  }
0x49: {  	_ =	shalt  }
0x4a: {  	_ =	shalt  }
0x4b: {  	_ =	shalt  }
0x4c: {  	_ =	shalt  }
0x4d: {  	_ =	shalt  }
0x4e: {  	_ =	shalt  }
0x4f: {  	_ =	shalt  }
0x50: {  	_ =	shalt  }
0x51: {  	_ =	shalt  }
0x52: {  	_ =	shalt  }
0x53: {  	_ =	shalt  }
0x54: {  	_ =	shalt  }
0x55: {  	_ =	shalt  }
0x56: {  	_ =	shalt  }
0x57: {  	_ =	shalt  }
0x58: {  	_ =	shalt  }
0x59: {  	_ =	shalt  }
0x5a: {  	_ =	shalt  }
0x5b: {  	_ =	shalt  }
0x5c: {  	_ =	shalt  }
0x5d: {  	_ =	shalt  }
0x5e: {  	_ =	shalt  }
0x5f: {  	_ =	shalt  }
0x60: {  	_ =	shalt  }
0x61: {  	_ =	shalt  }
0x62: {  	_ =	shalt  }
0x63: {  	_ =	shalt  }
0x64: {  	_ =	shalt  }
0x65: {  	_ =	shalt  }
0x66: {  	_ =	shalt  }
0x67: {  	_ =	shalt  }
0x68: {  	_ =	shalt  }
0x69: {  	_ =	shalt  }
0x6a: {  	_ =	shalt  }
0x6b: {  	_ =	shalt  }
0x6c: {  	_ =	shalt  }
0x6d: {  	_ =	shalt  }
0x6e: {  	_ =	shalt  }
0x6f: {  	_ =	shalt  }
0x70: {  	_ =	shalt  }
0x71: {  	_ =	shalt  }
0x72: {  	_ =	shalt  }
0x73: {  	_ =	shalt  }
0x74: {  	_ =	shalt  }
0x75: {  	_ =	shalt  }
0x76: {  	_ =	shalt  }
0x77: {  	_ =	shalt  }
0x78: {  	_ =	shalt  }
0x79: {  	_ =	shalt  }
0x7a: {  	_ =	shalt  }
0x7b: {  	_ =	shalt  }
0x7c: {  	_ =	shalt  }
0x7d: {  	_ =	shalt  }
0x7e: {  	_ =	shalt  }
0x7f: {  	_ =	shalt  }
0x80: {  	_ =	shalt  }
0x81: {  	_ =	shalt  }
0x82: {  	_ =	shalt  }
0x83: {  	_ =	shalt  }
0x84: {  	_ =	shalt  }
0x85: {  	_ =	shalt  }
0x86: {  	_ =	shalt  }
0x87: {  	_ =	shalt  }
.Lfunc_end0:
.L_simem_size_0:
called_computation_lowered:
.L_overlay_start_0:
0x88: {  	s2 =	sld [smem:$0x3FD9]  }
0x89: {  	s3 =	sld [smem:$0x3FFE];
	_ =	sdelay $0x1  }
0x8a: {  	s1 =	srdreg.scid  }
0x8b: {  	s0 =	sand.u32 $0x1, s1  }
0x8c: {  	s16 =	sshll.u32 s0, $0xA;
	s2 =	sadd.s32 s3, s2  }
0x8d: {  	s2 =	sadd.s32 s2, s16  }
0x8e: {  	[smem:$0x3FC7] =	sst s2  }
0x8f: {  	_ = 	snop  }
0x90: {  	(tm) =	ssettm $0x1  }
0x91: {  	s17 =	sld [smem:$0x3FFB];
	_ =	sdelay $0x3  }
0x92: {  	_ =	strace s17  }
0x93: {  	s2 =	sld [smem:$0x3FFC];
	_ =	sdelay $0x3  }
0x94: {  	_ =	strace s2  }
0x95: {  	s2 =	sld [smem:$0x3FFD];
	_ =	sdelay $0x3  }
0x96: {  	_ =	strace s2  }
0x97: {  	_ =	strace $0x8FFFFFFF  }
0x98: {  	s18 =	sld [smem:$0x3FDB];
	_ =	sdelay $0x1  }
0x99: {  	s19 =	simm.s32 $_scs_section_size  }
0x9a: {  	s4 =	simm.s32 $_size__tile_overlayer_lowered;
	s5 =	simm.s32 $_tile_overlayer_lowered  }
0x9b: {  	s22 =	simm.s32 $0x1BFF;
	s21 =	sshll.u32 s5, $0x1;
	s2 =	sadd.s32 s19, s18  }
0x9c: {  	s6 =	simm.s32 $0x0;
	s20 =	sshll.u32 s4, $0x1;
	s4 =	sadd.s32 s21, s2  }
0x9d: {  	[timem:s6], [sflag:s22] =	dma.local [hbm:s4], s20  }
0x9e: {  	_ =	swait.ge [sflag:s22], s20  }
0x9f: {  	s3 =	ssub.s32 $0x0, s20;
	[sflag:s22] =	ssyncset.done $0x0  }
0xa0: {  	[sflag:s22] =	ssyncadd.s32 s3;
	_ =	sdelay $0x1  }
0xa1: {  	s23 =	simm.s32 $0x1B8B  }
0xa2: {  	_ =	swait.ge [sflag:s23], $0x1  }
0xa3: {  	[sflag:s23] =	ssyncset.done $0x0  }
0xa4: {  	s25 =	simm.s32 $0x1B8E;
	s24 =	sld [smem:$0x3FFE];
	[sflag:s23] =	ssyncadd.s32 $0xFFFFFFFF  }
0xa5: {  	s26 =	simm.s32 $execute0_lowered;
	[smem:$0x3FD2] =	sst s25  }
0xa6: {  	s4 =	sshll.u32 s26, $0x1;
	_ =	strace $0x80000046;
	[dreg:$0x1] =	wrdreg $0xFFFFFFFF  }
0xa7: {  	s28 =	simm.s32 $_size_execute0_lowered;
	s2 =	sadd.s32 s2, s4;
	[dreg:$0x0] =	wrdreg $0x0  }
0xa8: {  	s4 =	sshll.u32 s28, $0x1;
	[dreg:$0x2] =	wrdreg s2  }
0xa9: {  	[dreg:$0x3] =	wrdreg s4  }
0xaa: {  	[dreg:$0x4] =	wrdreg $0xC0  }
0xab: {  	_ =	task [dreg:s6], $0x5FFFF  }
0xac: {  	[dreg:$0x1] =	wrdreg $0xFFFFFFFF  }
0xad: {  	[dreg:$0x0] =	wrdreg $0x60  }
0xae: {  	[dreg:$0x2] =	wrdreg s24  }
0xaf: {  	[dreg:$0x3] =	wrdreg $0x9  }
0xb0: {  	_ =	task.clear_ibuf [dreg:s6], $0x4FFFF;
	_ =	strace $0x90000046  }
0xb1: {  	s29 =	simm.s32 $0x9;
	_ =	strace $0x8000004C  }
0xb2: {  	_ =	swait.ge [sflag:s29], $0x1  }
0xb3: {  	[sflag:s29] =	ssyncadd.s32 $0xFFFFFFFF  }
0xb4: {  	_ =	strace $0x9000004C  }
0xb5: {  	_ =	sfence  }
0xb6: {  	s30 =	sld [smem:$0x0];
	_ =	sdelay $0x2  }
0xb7: {  	s31 =	sshll.u32 s1, $0xD;
	s1 =	sshrl.u32 s1, $0x2  }
0xb8: {  	s3 =	sand.u32 $0x4000, s31;
	s1 =	sadd.s32 s1, s30  }
0xb9: {  	s0 =	sor.u32 s3, s0;
	s1 =	sshll.u32 s1, $0x11  }
0xba: {  	s0 =	sor.u32 s1, s0  }
0xbb: {  	s0 =	sadd.s32 $0x8F2B, s0  }
0xbc: {  	[sflag:s0] =	ssyncadd.remote.s32 $0x1  }
0xbd: {  	_ =	sfence.sel $0xFFFF  }
0xbe: {  	[dreg:$0x0] =	wrdreg $0xFFFFFFFF;
	(pc) =	sbr.abs _section_cstart, $3  }
0xbf: {  	[dreg:$0x1] =	wrdreg $0xFFFFFFFF  }
0xc0: {  	_ =	task.clear_ibuf [dreg:s6], $0x2FFFF;
	_ =	strace $0x9FFFFFFF  }
0xc1: {  	(tm) =	ssettm $0x7FFFFFFF  }
tec
execute0_lowered:
.L_overlay_start_1:
0x0: {  	(tag) =	ssettag $0x1  }
0x1: {  	s2 =	rddreg [dreg:$0x0]  }
0x2: {  	s0 =	rddreg [dreg:$0x1]  }
0x3: {  	s1 =	simm.s32 $0x0;
	s3 =	srdreg.scid;
	s10 =	simm.s32 $0x10000  }
0x4: {  	s11 =	simm.s32 $0x1;
	s12 =	simm.s32 $0x0;
	[smem:$0x7FF] =	sst s1  }
0x5: {  	s4 =	sand.u32 $0x1, s3;
	s3 =	sadd.s32 $0x600, s2;
	_ =	strace $0x80000047  }
0x6: {  	s5 =	sshll.u32 s4, $0x4;
	s6 =	ssub.s32 $0x2, s4;
	s4 =	sshll.u32 s4, $0xA  }
0x7: {  	s5 =	sadd.s32 s5, s2;
	s2 =	stileid.u32;
	s30 =	sshrl.u32 s6, $0x1  }
0x8: {  	s7 =	sshll.u32 s2, $0x5;
	s8 =	sshll.u32 s2, $0x6;
	s9 =	sshll.u32 s2, $0xE  }
0x9: {  	s7 =	sand.u32 $0x60, s7;
	s4 =	sor.u32 s8, s4;
	s29 =	sand.u32 $0x30000, s9  }
0xa: {  	s9 =	simm.s32 $0x400;
	s5 =	sadd.s32 s7, s5;
	s31 =	sshll.u32 s4, $0xB  }
0xb: {  	s7 =	ssub.s32 s6, s30;
	s8 =	sadd.s32 s29, s5;
	s5 =	sadd.s32 s3, s31  }
0xc: {  	v0 =	vimm.s32 $0x0;
	v1 =	vimm.s32 $0x1;
	s7 =	smax.u32 s7, $0x1;
	s6 =	sadd.s32 $0x400600, s8;
	s8 =	simm.s32 $0x80  }
.LBB2_1:
0xd: {  	s13 =	simm.s32 $0x40;
	s14 =	simm.s32 $0x0  }
.LBB2_2:
0xe: {  	p0 =	sne.s32 s13, $0x3FFC0;
	[tilespmem:s14+$0x0] =	vst v0;
	s14 =	smov.u32 s13;
	s13 =	sadd.s32 $0x40, s13  }
.Ltmp0:
0xf: {  	(pc) =	sbr.rel @p0 .LBB2_2-.Ltmp0, $2  }
0x10: {  	_ =	sdelay $0x2  }
0x11: {  	s14 =	sshra.s32 s14, $0x2  }
0x12: {  	[tilespmem:s14+$0x0] =	vst v0  }
0x13: {  	s13 =	simm.s32 $0x1;
	s14 =	simm.s32 $0x0;
	_ =	strace $0x80000048  }
0x14: {  	[tilespmem:s10], [sflag:$0x1] =	stream.strided.gather [hbm4b:s5+s8], $0x4000, s9, s8, $0x200038;
	[tilespmem:$0x18000] =	vst v63  }
0x15: {  	s15 =	simm.s32 $0x0;
	s16 =	simm.s32 $0x0;
	_ =	strace $0x90000048  }
.LBB2_4:
0x16: {  	s17 =	smov.u32 s14;
	s14 =	sadd.s32 $0x1, s14  }
0x17: {  	p0 =	seq.s32 s14, $0x40  }
0x18: {  	s14 =	simm.s32 @p0 $0x0  }
0x19: {  	p6 =	sne.s32 s16, $0x3F;
	p1 =	sne.s32 s17, s14  }
0x1a: {  	p0 =	por !p6, !p1  }
0x1b: {  	p0 =	por !p0, !p0  }
0x1c: {  	s17 =	sadd.s32 @p0 s4, s14  }
0x1d: {  	s18 =	sshll.u32 @p0 s14, $0x7;
	s17 =	sshll.u32 @p0 s17, $0xE  }
0x1e: {  	s19 =	sand.u32 @p0 $0x1, s13;
	s18 =	sand.u32 @p0 $0x380, s18;
	s17 =	sand.u32 @p0 $0xFFFE0000, s17  }
0x1f: {  	_ =	strace @p0 $0x80000049;
	s20 =	simm.s32 @p0 $0x80;
	s17 =	sor.u32 @p0 s18, s17  }
0x20: {  	s21 =	simm.s32 @p0 $0x400;
	s18 =	sshll.u32 @p0 s19, $0xE;
	s17 =	sshrl.u32 @p0 s17, $0x3  }
0x21: {  	s19 =	sadd.s32 @p0 $0x1, s19;
	s18 =	sor.u32 @p0 $0x10000, s18;
	s17 =	sadd.s32 @p0 s3, s17  }
0x22: {  	[tilespmem:s18], [sflag:s19] =	stream.strided.gather @p0 [hbm4b:s17+s20], $0x4000, s21, s20, $0x200038;
	[tilespmem:$0x18000] =	vst v63  }
0x23: {  	s29 =	sand.u32 $0x1, s15;
	_ =	strace @p0 $0x90000049  }
0x24: {  	s17 =	sadd.s32 $0x1, s29;
	_ =	strace $0x8000004A  }
0x25: {  	s30 =	sshll.u32 s15, $0xE;
	_ =	swait.ge [sflag:s17], $0x4000  }
0x26: {  	s31 =	sand.u32 $0x4000, s30;
	[sflag:s17] =	ssyncset.done $0x0  }
0x27: {  	[sflag:s17] =	ssyncadd.s32 $0xFFFFC000;
	s17 =	sor.u32 $0x10000, s31  }
0x28: {  	v2 =	vmov s17;
	_ =	sdelay $0x2  }
0x29: {  	_ =	strace $0x9000004A  }
0x2a: {  	s18 =	simm.s32 $0x0;
	s17 =	simm.s32 $0x40;
	_ =	strace $0x8000004B  }
.LBB2_5:
0x2b: {  	p2 =	sne.s32 s17, $0xFFC0;
	v3 =	vld.idx.msk [tilespmem:v2+s18+$0x0 ss:$0x1], $0xffff;
	_ =	sdelay $0x5  }
0x2c: {  	v3 =	vshrl.u32 v3, $0xF  }
0x2d: {  	v3 =	vand.u32 $0xFFFF, v3  }
.Ltmp1:
0x2e: {  	(pc) =	sbr.rel @p2 .LBB2_5-.Ltmp1, $2  }
0x2f: {  	_ =	sdelay $0x2  }
0x30: {  	s18 =	sshra.s32 s17, $0x2;
	s17 =	sadd.s32 $0x40, s17;
	[tilespmem:v3+s1+$0x0] =	vst.idx.add.s32.msk $0xffff, v1  }
0x31: {  	_ =	sdelay $0x3  }
0x32: {  	v2 =	vld.idx.msk [tilespmem:v2+s18+$0x0 ss:$0x1], $0xffff;
	_ =	sdelay $0x4  }
0x33: {  	v2 =	vshrl.u32 v2, $0xF  }
0x34: {  	p2 =	seq.s32 s16, $0x3F;
	s17 =	simm.s32 $0x1;
	s16 =	sadd.s32 $0x1, s16;
	v2 =	vand.u32 $0xFFFF, v2  }
0x35: {  	s17 =	simm.s32 @!p0 $0x0;
	p0 =	sne.s32 s16, $0x40  }
.Ltmp2:
0x36: {  	_ = 	snop;
	(pc) =	sbr.rel @p0 .LBB2_4-.Ltmp2, $4  }
0x37: {  	_ = 	snop  }
0x38: {  	s18 =	simm.s32 $0x1;
	p1 =	por p2, p1  }
0x39: {  	s18 =	simm.s32 @!p1 $0x0;
	[tilespmem:v2+s1+$0x0] =	vst.idx.add.s32.msk $0xffff, v1  }
0x3a: {  	s13 =	sadd.s32 s17, s13;
	s15 =	sadd.s32 s18, s15;
	_ =	strace $0x9000004B  }
0x3b: {  	s12 =	sadd.s32 $0x1, s12  }
0x3c: {  	p0 =	sne.s32 s12, s7  }
.Ltmp3:
0x3d: {  	_ = 	snop;
	(pc) =	sbr.rel @p0 .LBB2_1-.Ltmp3, $4  }
0x3e: {  	[hbm4b:s6+s8] =	stream.strided.scatter [tilespmem:s1], [sflag:$0x1], $0x10000, s9, s8, $0x38;
	[tilespmem:$0x18000] =	vst v63  }
0x3f: {  	_ =	swait.ge [sflag:s11], $0x10000  }
0x40: {  	[sflag:s11] =	ssyncset.done $0x0  }
0x41: {  	[sflag:s11] =	ssyncadd.s32 $0xFFFF0000  }
0x42: {  	_ =	sfence.sel $0x180000  }
0x43: {  	[bflag:$0x0] =	sbarrier.arrive $0xFFFF  }
0x44: {  	p0 =	sne.s32 s2, $0x0;
	_ =	strace $0x90000047  }
0x45: {  	s0 =	sadd.s32 @!p0 $0x100000, s0;
	[bflag:$0x2] =	sbarrier.arrive $0xFFFF  }
0x46: {  	[sflag:s0] =	ssyncadd.tile.s32 @!p0 $0x1;
	_ =	shalt  }
.Lfunc_end2:
_tile_overlayer_lowered:
.L_overlay_start_2:
0x47: {  	(tag) =	ssettag $0x2  }
0x48: {  	s0 =	rddreg [dreg:$0x0];
	s2 =	stileid.u32  }
0x49: {  	s1 =	rddreg [dreg:$0x1];
	p0 =	sne.s32 s2, $0x0  }
0x4a: {  	s3 =	rddreg [dreg:$0x2];
	[bflag:$0x3] =	sbarrier.arrive $0xFFFF;
	s2 =	simm.s32 @!p0 $0x1C01  }
0x4b: {  	[timem:s3], [sflag:s2] =	dma.local @!p0 [hbm:s0], s1  }
0x4c: {  	s0 =	simm.s32 @!p0 $0x1  }
0x4d: {  	_ =	swait.ge @!p0 [sflag:s0], s1  }
0x4e: {  	s1 =	ssub.s32 @!p0 $0x0, s1;
	[sflag:s0] =	ssyncset.done @!p0 $0x0  }
0x4f: {  	[sflag:s0] =	ssyncadd.s32 @!p0 s1  }
0x50: {  	[bflag:$0x3] =	sbarrier.arrive $0xFFFF  }
0x51: {  	_ =	shalt  }

</sc_bundles>
